<compile_context>
chip_gen: v7x
topology: tpu7x:2x2x1
jax: 0.10.2.dev20260603
libtpu: 0.0.44.dev20260713+nightly
codegen_flags: <defaults>
</compile_context>

<pallas_src>
import functools

import jax
import jax.numpy as jnp
from jax import lax
from jax.experimental import pallas as pl
from jax.experimental.pallas import tpu as pltpu
from jax.experimental.pallas import tpu_sc as plsc

_NUM_NODE_TYPES = 4
_NUM_PAIRS = 16
_NUM_GLOBAL = 32
_NUM_LOCAL = 8
_PAD = 128
_TBL = _NUM_PAIRS * _NUM_GLOBAL



def _sc_label_body(packed_hbm, em_hbm, out_hbm, pk_v, lab_v, sem):
    nc = 2
    wid = lax.axis_index("s") * nc + lax.axis_index("c")
    n_per_w = pk_v.shape[0]
    base = wid * n_per_w
    pltpu.sync_copy(packed_hbm.at[pl.ds(base, n_per_w)], pk_v)
    pltpu.async_copy(em_hbm.at[pk_v], lab_v, sem).wait()

    def step(j, _):
        v = pk_v[pl.ds(j * 16, 16)]
        pair8 = lax.shift_left(lax.shift_right_logical(v, 5), 3)
        lab_v[pl.ds(j * 16, 16)] = pair8 + lab_v[pl.ds(j * 16, 16)]
        return 0

    lax.fori_loop(0, n_per_w // 16, step, 0)
    pltpu.sync_copy(lab_v, out_hbm.at[pl.ds(base, n_per_w)])


def _sc_labels(packed, em_flat):
    n = packed.shape[0]
    n_per_w = n // 32
    mesh = plsc.VectorSubcoreMesh(core_axis_name="c", subcore_axis_name="s")
    k = pl.kernel(
        _sc_label_body,
        out_type=jax.ShapeDtypeStruct((n,), jnp.int32),
        mesh=mesh,
        scratch_types=[
            pltpu.VMEM((n_per_w,), jnp.int32),
            pltpu.VMEM((n_per_w,), jnp.int32),
            pltpu.SemaphoreType.DMA,
        ],
    )
    return k(packed, em_flat)



def _fused_kernel(hs_ref, hd_ref, pcol_ref, out_ref, acc_ref, *, nblk,
                  w_ref, b_ref):
    i = pl.program_id(0)

    @pl.when(i == 0)
    def _init():
        acc_ref[...] = jnp.zeros_like(acc_ref)

    h = hs_ref[...] * hd_ref[...]
    logits = jax.lax.dot_general(
        h, w_ref[...], (((1,), (0,)), ((), ())),
        preferred_element_type=jnp.float32,
        precision=jax.lax.Precision.DEFAULT) + b_ref[...]

    bsz = logits.shape[0]
    pcol = jnp.reshape(pcol_ref[0], (bsz, 1))
    pair = lax.shift_right_logical(pcol, 3)
    col = lax.broadcasted_iota(jnp.int32, (bsz, _PAD), 1)

    base = pair * _NUM_LOCAL
    in_pair = (col >= base) & (col < base + _NUM_LOCAL)
    lse = jnp.log(jnp.sum(jnp.where(in_pair, jnp.exp(logits), 0.0),
                          axis=1, keepdims=True))
    picked = jnp.sum(jnp.where(col == pcol, logits, 0.0),
                     axis=1, keepdims=True)
    per_ex = lse - picked

    i16 = lax.broadcasted_iota(jnp.int32, (bsz, _NUM_PAIRS), 1)
    onehot_p = i16 == pair
    sums = jnp.sum(jnp.where(onehot_p, per_ex, 0.0), axis=0, keepdims=True)
    cnts = jnp.sum(onehot_p.astype(jnp.float32), axis=0, keepdims=True)
    acc_ref[...] += jnp.concatenate([sums, cnts], axis=0)

    @pl.when(i == nblk - 1)
    def _finish():
        tot = acc_ref[0:1, :]
        cnt = acc_ref[1:2, :]
        means = tot / jnp.maximum(cnt, 1.0)
        w = (cnt > 0.0).astype(jnp.float32)
        loss = jnp.sum(means * w) / jnp.maximum(jnp.sum(w), 1.0)
        out_ref[...] = jnp.reshape(loss, (1, 1))


def _tc_kernel_call(h_src, h_dst, pcol3, w_all, b_all, *, bsz, nblk, d):
    def body(hs, hd, pc, w, b, out, acc):
        _fused_kernel(hs, hd, pc, out, acc, nblk=nblk, w_ref=w, b_ref=b)

    return pl.pallas_call(
        body,
        grid=(nblk,),
        in_specs=[
            pl.BlockSpec((bsz, d), lambda i: (i, 0)),
            pl.BlockSpec((bsz, d), lambda i: (i, 0)),
            pl.BlockSpec((1, 1, bsz), lambda i: (i, 0, 0)),
            pl.BlockSpec((d, _PAD), lambda i: (0, 0)),
            pl.BlockSpec((1, _PAD), lambda i: (0, 0)),
        ],
        out_specs=pl.BlockSpec((1, 1), lambda i: (0, 0)),
        out_shape=jax.ShapeDtypeStruct((1, 1), jnp.float32),
        scratch_shapes=[pltpu.VMEM((2, _NUM_PAIRS), jnp.float32)],
        compiler_params=pltpu.CompilerParams(
            dimension_semantics=("arbitrary",)),
    )(h_src, h_dst, pcol3, w_all, b_all)


@jax.jit
def _run(h_src, h_dst, packed, w_all, b_all, em_flat):
    n, d = h_src.shape
    bsz = 2048
    nblk = n // bsz
    pcol = _sc_labels(packed, em_flat)
    pcol3 = pcol.reshape(nblk, 1, bsz)
    out = _tc_kernel_call(h_src, h_dst, pcol3, w_all, b_all,
                          bsz=bsz, nblk=nblk, d=d)
    return out[0, 0]


def kernel(h_src, h_dst, node_type_src_argmax, node_type_dst_argmax,
           edge_type_argmax, edge_type_w, edge_type_b, event_maps, inference):
    pair = (node_type_src_argmax.astype(jnp.int32) * _NUM_NODE_TYPES
            + node_type_dst_argmax.astype(jnp.int32))
    packed = pair * _NUM_GLOBAL + edge_type_argmax.astype(jnp.int32)
    w_all = jnp.transpose(edge_type_w, (1, 0, 2)).reshape(h_src.shape[1], _PAD)
    b_all = edge_type_b.reshape(1, _PAD)
    em_flat = event_maps.astype(jnp.int32).reshape(_TBL)
    loss = _run(h_src, h_dst, packed, w_all, b_all, em_flat)
    return loss + jnp.asarray(inference).astype(loss.dtype) * 0.0

# --- scband reference (transcript-rebuilt; emitter-appended) ---
"""Pipeline reference for scband-edge-type-prediction-hetero-10462540333788 (READ-ONLY COPY).

The authoritative reference and input builder live on the scoring server;
editing this copy changes nothing except your own understanding.
"""

import jax, jax.numpy as jnp
import numpy as np

NUM_NODE_TYPES = 4
NUM_PAIRS = NUM_NODE_TYPES * NUM_NODE_TYPES
NUM_GLOBAL_EDGE_TYPES = 32
NUM_LOCAL_CLASSES = 8
D = 768
N = 32768


def setup_inputs(seed: int = 0) -> dict:
    key = jax.random.key(seed)
    ks = jax.random.split(key, 7)
    h_src = jax.random.normal(ks[0], (N, D), dtype=jnp.float32)
    h_dst = jax.random.normal(ks[1], (N, D), dtype=jnp.float32)
    node_type_src_argmax = jax.random.randint(ks[2], (N,), 0, NUM_NODE_TYPES)
    node_type_dst_argmax = jax.random.randint(ks[3], (N,), 0, NUM_NODE_TYPES)
    edge_type_argmax = jax.random.randint(ks[4], (N,), 0, NUM_GLOBAL_EDGE_TYPES)
    # Learned params: one Linear(D -> NUM_LOCAL_CLASSES) per (src_type, dst_type) pair.
    edge_type_w = jax.random.normal(ks[5], (NUM_PAIRS, D, NUM_LOCAL_CLASSES), dtype=jnp.float32) * 0.02
    edge_type_b = jnp.zeros((NUM_PAIRS, NUM_LOCAL_CLASSES), dtype=jnp.float32)
    # ntype2edgemap: per pair, remap of global edge-type id -> local class id.
    event_maps = jax.random.randint(ks[6], (NUM_PAIRS, NUM_GLOBAL_EDGE_TYPES), 0, NUM_LOCAL_CLASSES)
    return {
        'h_src': h_src,
        'h_dst': h_dst,
        'node_type_src_argmax': node_type_src_argmax,
        'node_type_dst_argmax': node_type_dst_argmax,
        'edge_type_argmax': edge_type_argmax,
        'edge_type_w': edge_type_w,
        'edge_type_b': edge_type_b,
        'event_maps': event_maps,
        'inference': False,
    }


def reference(h_src, h_dst, node_type_src_argmax, node_type_dst_argmax,
              edge_type_argmax, edge_type_w, edge_type_b, event_maps, inference):
    # decoder: Hadamard-product link decoder
    h = h_src * h_dst
    group_means = []
    group_weights = []
    for s in range(NUM_NODE_TYPES):
        for d in range(NUM_NODE_TYPES):
            p = s * NUM_NODE_TYPES + d
            mask = (node_type_src_argmax == s) & (node_type_dst_argmax == d)
            out = h @ edge_type_w[p] + edge_type_b[p]
            labels = jnp.take(event_maps[p], edge_type_argmax, axis=0)
            logp = jax.nn.log_softmax(out, axis=-1)
            per_example = -jnp.take_along_axis(logp, labels[:, None], axis=1)[:, 0]
            maskf = mask.astype(per_example.dtype)
            cnt = jnp.sum(maskf)
            group_means.append(jnp.sum(per_example * maskf) / jnp.maximum(cnt, 1.0))
            group_weights.append((cnt > 0).astype(per_example.dtype))
    means = jnp.stack(group_means)
    weights = jnp.stack(group_weights)
    loss = jnp.sum(means * weights) / jnp.maximum(jnp.sum(weights), 1.0)
    return loss + jnp.asarray(inference).astype(loss.dtype) * 0.0

if __name__ == "__main__":
    import jax
    _d = setup_inputs()
    print(jax.jit(kernel)(*tuple(_d.values())))

</pallas_src>

<mosaic_0001>
#map = affine_map<(d0, d1) -> (0)>
module attributes {stable_mosaic.version = 14 : i64} {
  func.func @_sc_label_body(%arg0: i32, %arg1: i32, %arg2: memref<32768xi32, #tpu.memory_space<hbm>>, %arg3: memref<512xi32, #tpu.memory_space<hbm>>, %arg4: memref<32768xi32, #tpu.memory_space<hbm>>, %arg5: memref<1024xi32, #tpu.memory_space<vmem>>, %arg6: memref<1024xi32, #tpu.memory_space<vmem>>, %arg7: memref<!tpu.dma_semaphore, #tpu.memory_space<semaphore_mem>>) attributes {dimension_semantics = [#tpu.dimension_semantics<core_parallel>, #tpu.dimension_semantics<subcore_parallel>], iteration_bounds = array<i64: 2, 16>, scalar_prefetch = 0 : i64, scratch_operands = 3 : i64, tpu.core_type = #tpu.core_type<sc_vector_subcore>, window_params = [{transform_indices = #map}, {transform_indices = #map}, {transform_indices = #map}]} {
    %mul3A = arith.constant 2 : i32
    %mul3A_0 = arith.muli %arg1, %mul3A : i32
    %add3A = arith.addi %mul3A_0, %arg0 : i32
    %mul3A_1 = arith.constant 1024 : i32
    %mul3A_2 = arith.muli %add3A, %mul3A_1 : i32
    "tpu.region"() ({
      %run_scoped3A = tpu.sem_alloc : memref<!tpu.dma_semaphore, #tpu.memory_space<semaphore_mem>>
      %dma_start3A_11 = tpu.memref_slice %arg2[%mul3A_2] : memref<32768xi32, #tpu.memory_space<hbm>> -> memref<1024xi32, #tpu.memory_space<hbm>>
      %dma_start3A_12 = tpu.memref_slice %arg2[%mul3A_2] : memref<32768xi32, #tpu.memory_space<hbm>> -> memref<1024xi32, #tpu.memory_space<hbm>>
      tpu.enqueue_dma source(%dma_start3A_12 : memref<1024xi32, #tpu.memory_space<hbm>>) target(%arg5 : memref<1024xi32, #tpu.memory_space<vmem>>) target_semaphore(%run_scoped3A : memref<!tpu.dma_semaphore, #tpu.memory_space<semaphore_mem>>)
      %dma_wait3A_13 = tpu.memref_slice %arg2[%mul3A_2] : memref<32768xi32, #tpu.memory_space<hbm>> -> memref<1024xi32, #tpu.memory_space<hbm>>
      %dma_wait3A_14 = tpu.memref_slice %arg2[%mul3A_2] : memref<32768xi32, #tpu.memory_space<hbm>> -> memref<1024xi32, #tpu.memory_space<hbm>>
      tpu.wait_dma2 semaphore(%run_scoped3A : memref<!tpu.dma_semaphore, #tpu.memory_space<semaphore_mem>>) src(%dma_wait3A_14 : memref<1024xi32, #tpu.memory_space<hbm>>) dst(%arg5 : memref<1024xi32, #tpu.memory_space<vmem>>)
      tpu.yield
    }) : () -> ()
    %dma_start3A = arith.constant 0 : i32
    %dma_start3A_3 = tpu.memref_slice %arg3[%dma_start3A] : memref<512xi32, #tpu.memory_space<hbm>> -> memref<512xi32, #tpu.memory_space<hbm>>
    tpu.enqueue_indirect_dma source(%dma_start3A_3 : memref<512xi32, #tpu.memory_space<hbm>>) target(%arg6 : memref<1024xi32, #tpu.memory_space<vmem>>) offsets(%arg5 : memref<1024xi32, #tpu.memory_space<vmem>>) semaphore(%arg7 : memref<!tpu.dma_semaphore, #tpu.memory_space<semaphore_mem>>)
    %dma_wait3A = arith.constant 0 : i32
    %dma_wait3A_4 = tpu.memref_slice %arg3[%dma_wait3A] : memref<512xi32, #tpu.memory_space<hbm>> -> memref<512xi32, #tpu.memory_space<hbm>>
    tpu.wait_indirect_dma semaphore(%arg7 : memref<!tpu.dma_semaphore, #tpu.memory_space<semaphore_mem>>) src(%dma_wait3A_4 : memref<512xi32, #tpu.memory_space<hbm>>) dst(%arg6 : memref<1024xi32, #tpu.memory_space<vmem>>)
    %scan3A = arith.constant 0 : i32
    %scan3A_5 = arith.constant 0 : i32
    %scan3A_6 = arith.constant 64 : i32
    %scan3A_7 = arith.addi %scan3A_5, %scan3A_6 : i32
    %scan3A_8 = arith.constant 1 : i32
    %scan3A_9 = scf.for %scan3A_11 = %scan3A_5 to %scan3A_7 step %scan3A_8 iter_args(%scan3A_12 = %scan3A) -> (i32)  : i32 {
      %mul3A_13 = arith.constant 16 : i32
      %mul3A_14 = arith.muli %scan3A_11, %mul3A_13 : i32
      %get3A = arith.index_cast %mul3A_14 : i32 to index
      %get3A_15 = tpu.vector_load %arg5[%get3A] {strides = array<i32>} : memref<1024xi32, #tpu.memory_space<vmem>>, vector<16xi32>,
      %get3A_16 = vector.shape_cast %get3A_15 : vector<16xi32> to vector<16xi32>
      %shift_right_logical3A = arith.constant 5 : i32
      %shift_right_logical3A_17 = vector.broadcast %shift_right_logical3A : i32 to vector<16xi32>
      %shift_right_logical3A_18 = arith.shrui %get3A_16, %shift_right_logical3A_17 : vector<16xi32>
      %shift_left3A = arith.constant 3 : i32
      %shift_left3A_19 = vector.broadcast %shift_left3A : i32 to vector<16xi32>
      %shift_left3A_20 = arith.shli %shift_right_logical3A_18, %shift_left3A_19 : vector<16xi32>
      %mul3A_21 = arith.constant 16 : i32
      %mul3A_22 = arith.muli %scan3A_11, %mul3A_21 : i32
      %get3A_23 = arith.index_cast %mul3A_22 : i32 to index
      %get3A_24 = tpu.vector_load %arg6[%get3A_23] {strides = array<i32>} : memref<1024xi32, #tpu.memory_space<vmem>>, vector<16xi32>,
      %get3A_25 = vector.shape_cast %get3A_24 : vector<16xi32> to vector<16xi32>
      %add3A_26 = arith.addi %shift_left3A_20, %get3A_25 : vector<16xi32>
      %mul3A_27 = arith.constant 16 : i32
      %mul3A_28 = arith.muli %scan3A_11, %mul3A_27 : i32
      %swap3A = arith.index_cast %mul3A_28 : i32 to index
      %swap3A_29 = tpu.vector_load %arg6[%swap3A] {strides = array<i32>} : memref<1024xi32, #tpu.memory_space<vmem>>, vector<16xi32>,
      %swap3A_30 = vector.shape_cast %swap3A_29 : vector<16xi32> to vector<16xi32>
      %swap3A_31 = vector.shape_cast %add3A_26 : vector<16xi32> to vector<16xi32>
      tpu.vector_store %arg6[%swap3A], %swap3A_31 {strides = array<i32>} : memref<1024xi32, #tpu.memory_space<vmem>>, vector<16xi32>,
      %scan3A_32 = arith.constant 0 : i32
      scf.yield %scan3A_32 : i32
    }
    %scan3A_10 = arith.constant 64 : i32
    "tpu.region"() ({
      %run_scoped3A = tpu.sem_alloc : memref<!tpu.dma_semaphore, #tpu.memory_space<semaphore_mem>>
      %dma_start3A_11 = tpu.memref_slice %arg4[%mul3A_2] : memref<32768xi32, #tpu.memory_space<hbm>> -> memref<1024xi32, #tpu.memory_space<hbm>>
      %dma_start3A_12 = tpu.memref_slice %arg4[%mul3A_2] : memref<32768xi32, #tpu.memory_space<hbm>> -> memref<1024xi32, #tpu.memory_space<hbm>>
      tpu.enqueue_dma source(%arg6 : memref<1024xi32, #tpu.memory_space<vmem>>) target(%dma_start3A_12 : memref<1024xi32, #tpu.memory_space<hbm>>) target_semaphore(%run_scoped3A : memref<!tpu.dma_semaphore, #tpu.memory_space<semaphore_mem>>)
      %dma_wait3A_13 = tpu.memref_slice %arg4[%mul3A_2] : memref<32768xi32, #tpu.memory_space<hbm>> -> memref<1024xi32, #tpu.memory_space<hbm>>
      %dma_wait3A_14 = tpu.memref_slice %arg4[%mul3A_2] : memref<32768xi32, #tpu.memory_space<hbm>> -> memref<1024xi32, #tpu.memory_space<hbm>>
      tpu.wait_dma2 semaphore(%run_scoped3A : memref<!tpu.dma_semaphore, #tpu.memory_space<semaphore_mem>>) src(%arg6 : memref<1024xi32, #tpu.memory_space<vmem>>) dst(%dma_wait3A_14 : memref<1024xi32, #tpu.memory_space<hbm>>)
      tpu.yield
    }) : () -> ()
    return
  }
}

module attributes {stable_mosaic.version = 14 : i64} {
  func.func @body(%arg0: i32, %arg1: memref<2048x768xf32, #tpu.memory_space<vmem>>, %arg2: memref<2048x768xf32, #tpu.memory_space<vmem>>, %arg3: memref<1x1x2048xi32, #tpu.memory_space<vmem>>, %arg4: memref<768x128xf32, #tpu.memory_space<vmem>>, %arg5: memref<1x128xf32, #tpu.memory_space<vmem>>, %arg6: memref<1x1xf32, #tpu.memory_space<vmem>>, %arg7: memref<2x16xf32, #tpu.memory_space<vmem>>) attributes {dimension_semantics = [#tpu.dimension_semantics<arbitrary>], iteration_bounds = array<i64: 16>, scalar_prefetch = 0 : i64, scratch_operands = 1 : i64, tpu.core_type = #tpu.core_type<tc>, window_params = [{transform_indices = @transform_0, window_bounds = array<i64: 2048, 768>}, {transform_indices = @transform_1, window_bounds = array<i64: 2048, 768>}, {transform_indices = @transform_2, window_bounds = array<i64: 1, 1, 2048>}, {pipeline_mode = #tpu.pipeline_mode<synchronous>, transform_indices = @transform_3, window_bounds = array<i64: 768, 128>}, {pipeline_mode = #tpu.pipeline_mode<synchronous>, transform_indices = @transform_4, window_bounds = array<i64: 1, 128>}, {pipeline_mode = #tpu.pipeline_mode<synchronous>, transform_indices = @transform_5, window_bounds = array<i64: 1, 1>}]} {
    %eq3A = arith.constant 0 : i32
    %eq3A_0 = arith.cmpi eq, %arg0, %eq3A : i32
    %convert_element_type3A = arith.extui %eq3A_0 : i1 to i32
    %cond3A = arith.constant 0 : i32
    %cond3A_1 = arith.cmpi ne, %convert_element_type3A, %cond3A : i32
    scf.if %cond3A_1 {
      %broadcast_in_dim3A_67 = arith.constant 0.000000e+00 : f32
      %broadcast_in_dim3A_68 = vector.broadcast %broadcast_in_dim3A_67 : f32 to vector<2x16xf32>
      %swap3A_69 = arith.constant 0 : index
      %swap3A_70 = arith.constant 0 : index
      %swap3A_71 = vector.load %arg7[%swap3A_69, %swap3A_70] : memref<2x16xf32, #tpu.memory_space<vmem>>, vector<2x16xf32>
      tpu.vector_store %arg7[%swap3A_69, %swap3A_70], %broadcast_in_dim3A_68 {strides = array<i32>} : memref<2x16xf32, #tpu.memory_space<vmem>>, vector<2x16xf32>,
    } else {
    }
    %get3A = arith.constant 0 : index
    %get3A_2 = arith.constant 0 : index
    %get3A_3 = vector.load %arg1[%get3A, %get3A_2] : memref<2048x768xf32, #tpu.memory_space<vmem>>, vector<2048x768xf32>
    %get3A_4 = arith.constant 0 : index
    %get3A_5 = arith.constant 0 : index
    %get3A_6 = vector.load %arg2[%get3A_4, %get3A_5] : memref<2048x768xf32, #tpu.memory_space<vmem>>, vector<2048x768xf32>
    %mul3A = arith.mulf %get3A_3, %get3A_6 : vector<2048x768xf32>
    %get3A_7 = arith.constant 0 : index
    %get3A_8 = arith.constant 0 : index
    %get3A_9 = vector.load %arg4[%get3A_7, %get3A_8] : memref<768x128xf32, #tpu.memory_space<vmem>>, vector<768x128xf32>
    %dot_general3A = arith.constant dense<0.000000e+00> : vector<2048x128xf32>
    %dot_general3A_10 = tpu.matmul %mul3A, %get3A_9, %dot_general3A {dimension_numbers = #tpu.dot_dimension_numbers<[1], [0], [0], [1], [0, 0, 1, 1], [], []>, transpose_lhs_hint = false} : vector<2048x768xf32>, vector<768x128xf32>, vector<2048x128xf32> -> vector<2048x128xf32>
    %get3A_11 = arith.constant 0 : index
    %get3A_12 = arith.constant 0 : index
    %get3A_13 = vector.load %arg5[%get3A_11, %get3A_12] : memref<1x128xf32, #tpu.memory_space<vmem>>, vector<1x128xf32>
    %add3A = vector.broadcast %get3A_13 : vector<1x128xf32> to vector<2048x128xf32>
    %add3A_14 = arith.addf %dot_general3A_10, %add3A : vector<2048x128xf32>
    %get3A_15 = arith.constant 0 : index
    %get3A_16 = arith.constant 0 : index
    %get3A_17 = arith.constant 0 : index
    %get3A_18 = vector.load %arg3[%get3A_15, %get3A_16, %get3A_17] : memref<1x1x2048xi32, #tpu.memory_space<vmem>>, vector<1x1x2048xi32>
    %get3A_19 = vector.shape_cast %get3A_18 : vector<1x1x2048xi32> to vector<1x2048xi32>
    %reshape3A = vector.shape_cast %get3A_19 : vector<1x2048xi32> to vector<2048x1xi32>
    %shift_right_logical3A = arith.constant 3 : i32
    %shift_right_logical3A_20 = vector.broadcast %shift_right_logical3A : i32 to vector<2048x1xi32>
    %shift_right_logical3A_21 = arith.shrui %reshape3A, %shift_right_logical3A_20 : vector<2048x1xi32>
    %iota3A = tpu.iota {dimensions = array<i32: 1>} : vector<2048x128xi32>
    %mul3A_22 = arith.constant 8 : i32
    %mul3A_23 = vector.broadcast %mul3A_22 : i32 to vector<2048x1xi32>
    %mul3A_24 = arith.muli %shift_right_logical3A_21, %mul3A_23 : vector<2048x1xi32>
    %ge3A = vector.broadcast %mul3A_24 : vector<2048x1xi32> to vector<2048x128xi32>
    %ge3A_25 = arith.cmpi sge, %iota3A, %ge3A : vector<2048x128xi32>
    %add3A_26 = arith.constant 8 : i32
    %add3A_27 = vector.broadcast %add3A_26 : i32 to vector<2048x1xi32>
    %add3A_28 = arith.addi %mul3A_24, %add3A_27 : vector<2048x1xi32>
    %lt3A = vector.broadcast %add3A_28 : vector<2048x1xi32> to vector<2048x128xi32>
    %lt3A_29 = arith.cmpi slt, %iota3A, %lt3A : vector<2048x128xi32>
    %and3A = arith.andi %ge3A_25, %lt3A_29 : vector<2048x128xi1>
    %exp3A = math.exp %add3A_14 : vector<2048x128xf32>
    %jit3A = arith.constant 0.000000e+00 : f32
    %broadcast_in_dim3A = vector.broadcast %jit3A : f32 to vector<2048x128xf32>
    %select_n3A = arith.select %and3A, %exp3A, %broadcast_in_dim3A : vector<2048x128xi1>, vector<2048x128xf32>
    %reduce_sum3A = arith.constant dense<0.000000e+00> : vector<2048xf32>
    %reduce_sum3A_30 = vector.multi_reduction <add>, %select_n3A, %reduce_sum3A [1] : vector<2048x128xf32> to vector<2048xf32>
    %broadcast_in_dim3A_31 = vector.shape_cast %reduce_sum3A_30 : vector<2048xf32> to vector<2048x1xf32>
    %log3A = math.log %broadcast_in_dim3A_31 : vector<2048x1xf32>
    %eq3A_32 = vector.broadcast %reshape3A : vector<2048x1xi32> to vector<2048x128xi32>
    %eq3A_33 = arith.cmpi eq, %iota3A, %eq3A_32 : vector<2048x128xi32>
    %jit3A_34 = arith.constant 0.000000e+00 : f32
    %broadcast_in_dim3A_35 = vector.broadcast %jit3A_34 : f32 to vector<2048x128xf32>
    %select_n3A_36 = arith.select %eq3A_33, %add3A_14, %broadcast_in_dim3A_35 : vector<2048x128xi1>, vector<2048x128xf32>
    %reduce_sum3A_37 = arith.constant dense<0.000000e+00> : vector<2048xf32>
    %reduce_sum3A_38 = vector.multi_reduction <add>, %select_n3A_36, %reduce_sum3A_37 [1] : vector<2048x128xf32> to vector<2048xf32>
    %broadcast_in_dim3A_39 = vector.shape_cast %reduce_sum3A_38 : vector<2048xf32> to vector<2048x1xf32>
    %sub3A = arith.subf %log3A, %broadcast_in_dim3A_39 : vector<2048x1xf32>
    %iota3A_40 = tpu.iota {dimensions = array<i32: 1>} : vector<2048x16xi32>
    %eq3A_41 = vector.broadcast %shift_right_logical3A_21 : vector<2048x1xi32> to vector<2048x16xi32>
    %eq3A_42 = arith.cmpi eq, %iota3A_40, %eq3A_41 : vector<2048x16xi32>
    %jit3A_43 = arith.constant 0.000000e+00 : f32
    %broadcast_in_dim3A_44 = vector.shape_cast %sub3A : vector<2048x1xf32> to vector<2048x1xf32>
    %broadcast_in_dim3A_45 = vector.broadcast %broadcast_in_dim3A_44 : vector<2048x1xf32> to vector<2048x16xf32>
    %broadcast_in_dim3A_46 = vector.broadcast %jit3A_43 : f32 to vector<2048x16xf32>
    %select_n3A_47 = arith.select %eq3A_42, %broadcast_in_dim3A_45, %broadcast_in_dim3A_46 : vector<2048x16xi1>, vector<2048x16xf32>
    %reduce_sum3A_48 = arith.constant dense<0.000000e+00> : vector<16xf32>
    %reduce_sum3A_49 = vector.multi_reduction <add>, %select_n3A_47, %reduce_sum3A_48 [0] : vector<2048x16xf32> to vector<16xf32>
    %broadcast_in_dim3A_50 = vector.shape_cast %reduce_sum3A_49 : vector<16xf32> to vector<1x16xf32>
    %convert_element_type3A_51 = arith.extui %eq3A_42 : vector<2048x16xi1> to vector<2048x16xi32>
    %convert_element_type3A_52 = arith.sitofp %convert_element_type3A_51 : vector<2048x16xi32> to vector<2048x16xf32>
    %reduce_sum3A_53 = arith.constant dense<0.000000e+00> : vector<16xf32>
    %reduce_sum3A_54 = vector.multi_reduction <add>, %convert_element_type3A_52, %reduce_sum3A_53 [0] : vector<2048x16xf32> to vector<16xf32>
    %broadcast_in_dim3A_55 = vector.shape_cast %reduce_sum3A_54 : vector<16xf32> to vector<1x16xf32>
    %get3A_56 = arith.constant 0 : index
    %get3A_57 = arith.constant 0 : index
    %get3A_58 = vector.load %arg7[%get3A_56, %get3A_57] : memref<2x16xf32, #tpu.memory_space<vmem>>, vector<2x16xf32>
    %concatenate3A = tpu.concatenate %broadcast_in_dim3A_50, %broadcast_in_dim3A_55 in 0 : vector<1x16xf32>, vector<1x16xf32> -> vector<2x16xf32>
    %add3A_59 = arith.addf %get3A_58, %concatenate3A : vector<2x16xf32>
    %swap3A = arith.constant 0 : index
    %swap3A_60 = arith.constant 0 : index
    %swap3A_61 = vector.load %arg7[%swap3A, %swap3A_60] : memref<2x16xf32, #tpu.memory_space<vmem>>, vector<2x16xf32>
    tpu.vector_store %arg7[%swap3A, %swap3A_60], %add3A_59 {strides = array<i32>} : memref<2x16xf32, #tpu.memory_space<vmem>>, vector<2x16xf32>,
    %eq3A_62 = arith.constant 15 : i32
    %eq3A_63 = arith.cmpi eq, %arg0, %eq3A_62 : i32
    %convert_element_type3A_64 = arith.extui %eq3A_63 : i1 to i32
    %cond3A_65 = arith.constant 0 : i32
    %cond3A_66 = arith.cmpi ne, %convert_element_type3A_64, %cond3A_65 : i32
    scf.if %cond3A_66 {
      %get3A_67 = arith.constant 0 : index
      %get3A_68 = arith.constant 0 : index
      %get3A_69 = vector.load %arg7[%get3A_67, %get3A_68] : memref<2x16xf32, #tpu.memory_space<vmem>>, vector<1x16xf32>
      %get3A_70 = arith.constant 1 : index
      %get3A_71 = arith.constant 0 : index
      %get3A_72 = vector.load %arg7[%get3A_70, %get3A_71] : memref<2x16xf32, #tpu.memory_space<vmem>>, vector<1x16xf32>
      %max3A = arith.constant 1.000000e+00 : f32
      %max3A_73 = vector.broadcast %max3A : f32 to vector<1x16xf32>
      %max3A_74 = arith.maximumf %get3A_72, %max3A_73 : vector<1x16xf32>
      %div3A = arith.divf %get3A_69, %max3A_74 : vector<1x16xf32>
      %gt3A = arith.constant 0.000000e+00 : f32
      %gt3A_75 = vector.broadcast %gt3A : f32 to vector<1x16xf32>
      %gt3A_76 = arith.cmpf ogt, %get3A_72, %gt3A_75 : vector<1x16xf32>
      %convert_element_type3A_77 = arith.extui %gt3A_76 : vector<1x16xi1> to vector<1x16xi32>
      %convert_element_type3A_78 = arith.sitofp %convert_element_type3A_77 : vector<1x16xi32> to vector<1x16xf32>
      %mul3A_79 = arith.mulf %div3A, %convert_element_type3A_78 : vector<1x16xf32>
      %reduce_sum3A_80 = vector.shape_cast %mul3A_79 : vector<1x16xf32> to vector<1x1x16xf32>
      %reduce_sum3A_81 = arith.constant dense<0.000000e+00> : vector<1xf32>
      %reduce_sum3A_82 = vector.multi_reduction <add>, %reduce_sum3A_80, %reduce_sum3A_81 [1, 2] : vector<1x1x16xf32> to vector<1xf32>
      %reduce_sum3A_83 = vector.shape_cast %reduce_sum3A_82 : vector<1xf32> to vector<1x1x1xf32>
      %reduce_sum3A_84 = vector.extract %reduce_sum3A_83[0, 0, 0] : f32 from vector<1x1x1xf32>
      %reduce_sum3A_85 = vector.shape_cast %convert_element_type3A_78 : vector<1x16xf32> to vector<1x1x16xf32>
      %reduce_sum3A_86 = arith.constant dense<0.000000e+00> : vector<1xf32>
      %reduce_sum3A_87 = vector.multi_reduction <add>, %reduce_sum3A_85, %reduce_sum3A_86 [1, 2] : vector<1x1x16xf32> to vector<1xf32>
      %reduce_sum3A_88 = vector.shape_cast %reduce_sum3A_87 : vector<1xf32> to vector<1x1x1xf32>
      %reduce_sum3A_89 = vector.extract %reduce_sum3A_88[0, 0, 0] : f32 from vector<1x1x1xf32>
      %max3A_90 = arith.constant 1.000000e+00 : f32
      %max3A_91 = arith.maximumf %reduce_sum3A_89, %max3A_90 : f32
      %div3A_92 = arith.divf %reduce_sum3A_84, %max3A_91 : f32
      %reshape3A_93 = vector.broadcast %div3A_92 : f32 to vector<1x1xf32>
      %swap3A_94 = arith.constant 0 : index
      %swap3A_95 = arith.constant 0 : index
      %swap3A_96 = vector.load %arg6[%swap3A_94, %swap3A_95] : memref<1x1xf32, #tpu.memory_space<vmem>>, vector<1x1xf32>
      tpu.vector_store %arg6[%swap3A_94, %swap3A_95], %reshape3A_93 {strides = array<i32>} : memref<1x1xf32, #tpu.memory_space<vmem>>, vector<1x1xf32>,
    } else {
    }
    return
  }
  func.func @transform_0(%arg0: i32) -> (i32, i32) {
    %c0_i32 = arith.constant 0 : i32
    %c0_i32_0 = arith.constant 0 : i32
    return %arg0, %c0_i32 : i32, i32
  }
  func.func @transform_1(%arg0: i32) -> (i32, i32) {
    %c0_i32 = arith.constant 0 : i32
    %c0_i32_0 = arith.constant 0 : i32
    return %arg0, %c0_i32 : i32, i32
  }
  func.func @transform_2(%arg0: i32) -> (i32, i32, i32) {
    %c0_i32 = arith.constant 0 : i32
    %c0_i32_0 = arith.constant 0 : i32
    %c0_i32_1 = arith.constant 0 : i32
    return %arg0, %c0_i32, %c0_i32_0 : i32, i32, i32
  }
  func.func @transform_3(%arg0: i32) -> (i32, i32) {
    %c0_i32 = arith.constant 0 : i32
    %c0_i32_0 = arith.constant 0 : i32
    %c0_i32_1 = arith.constant 0 : i32
    return %c0_i32, %c0_i32_0 : i32, i32
  }
  func.func @transform_4(%arg0: i32) -> (i32, i32) {
    %c0_i32 = arith.constant 0 : i32
    %c0_i32_0 = arith.constant 0 : i32
    %c0_i32_1 = arith.constant 0 : i32
    return %c0_i32, %c0_i32_0 : i32, i32
  }
  func.func @transform_5(%arg0: i32) -> (i32, i32) {
    %c0_i32 = arith.constant 0 : i32
    %c0_i32_0 = arith.constant 0 : i32
    %c0_i32_1 = arith.constant 0 : i32
    return %c0_i32, %c0_i32_0 : i32, i32
  }
}

</mosaic_0001>

<sc_bundles>
// kernel: _run.4.cloned.1.call-start
scs
__scs_entry_jumppad:
0x0: {  	(pc) =	sbr.rel $0x88, $3  }
0x1: {  	(tag) =	ssettag $0x0;
	lr =	simm.s32 $0x1  }
0x2: {  	[smem:$0x3F9B] =	sst lr;
	_ =	strace $0xD0000000  }
0x3: {  	_ = 	snop  }
0x4: {  	_ = 	snop  }
0x5: {  	_ = 	snop  }
0x6: {  	_ = 	snop  }
0x7: {  	_ = 	snop  }
__scs_overlays_trampoline_lowered:
0x8: {  	[smem:$0x3FAA] =	sst s0  }
0x9: {  	[smem:$0x3FAB] =	sst s1  }
0xa: {  	[smem:$0x3FAC] =	sst s2  }
0xb: {  	[smem:$0x3FAD] =	sst s3  }
0xc: {  	[smem:$0x3FAE] =	sst s4  }
0xd: {  	[smem:$0x3FAF] =	sst s5  }
0xe: {  	[smem:$0x3FB0] =	sst s6  }
0xf: {  	[smem:$0x3FB1] =	sst s7  }
0x10: {  	[smem:$0x3FB2] =	sst s8  }
0x11: {  	[smem:$0x3FB3] =	sst s9;
	s0 =	simm.s32 @!p0 $0x0  }
0x12: {  	s1 =	sld [smem:$0x3F99];
	s0 =	simm.s32 @p0 $0x1  }
0x13: {  	[smem:$0x3FB4] =	sst s0;
	s0 =	simm.s32 @!p1 $0x0  }
0x14: {  	s2 =	sld [smem:$0x3F98];
	s0 =	simm.s32 @p1 $0x1  }
0x15: {  	[smem:$0x3FB5] =	sst s0;
	s0 =	simm.s32 @!p2 $0x0  }
0x16: {  	s3 =	sld [smem:$0x3FDB];
	s0 =	simm.s32 @p2 $0x1  }
0x17: {  	s4 =	simm.s32 $0x1BF5;
	[smem:$0x3FB7] =	sst s0  }
0x18: {  	s0 =	sld [smem:$0x3F9A];
	_ =	swait.ge [sflag:s4], $0x0  }
0x19: {  	s7 =	sld [smem:$0x3F9B]  }
0x1a: {  	s8 =	sadd.s32 $0xFFFFE003, lr  }
0x1b: {  	s9 =	sadd.s32 $0xFFFFFEF7, lr;
	s5 =	simm.s32 $0xFFFFFFFF;
	p2 =	slt.u32 s8, $0xFFFFF086  }
0x1c: {  	p1 =	slt.u32 s9, $0xF7A;
	s5 =	simm.s32 @!p2 $0x0  }
0x1d: {  	s5 =	simm.s32 @p1 $0x1;
	p0 =	seq.s32 s7, s2  }
0x1e: {  	s7 =	smul.u32 @!p0 $0xF7A, s2;
	p2 =	seq.s32 @!p0 s5, $0x0  }
0x1f: {  	s9 =	smul.u32 $0xF7A, s1;
	s8 =	simm.s32 @!p0 $0x1BF5;
	p2 =	por !p2, p0  }
0x20: {  	[sflag:s8] =	ssyncset.s32 @!p0 $0xFFFFF086;
	s6 =	sadd.s32 @!p0 s3, s7;
	s7 =	simm.s32 @!p0 $0x108  }
0x21: {  	s3 =	sadd.s32 s3, s9;
	s6 =	sadd.s32 @!p0 $0x88, s6;
	s7 =	simm.s32 @p2 $0x1082  }
0x22: {  	[simem:s7], [sflag:s8] =	dma.local @!p0 [hbm:s6], $0xF7A  }
0x23: {  	s9 =	sor.u32 $0xD0000000, s2;
	s6 =	simm.s32 $0x108;
	_ =	swait.ge @!p0 [sflag:s8], $0x0  }
0x24: {  	s3 =	sadd.s32 $0x88, s3;
	s6 =	simm.s32 @!p1 $0x1082;
	[sflag:s4] =	ssyncset.s32 $0xFFFFF086  }
0x25: {  	[simem:s6], [sflag:s4] =	dma.local [hbm:s3], $0xF7A  }
0x26: {  	[smem:$0x3F9B] =	sst s1;
	(tag) =	ssettag s2;
	_ =	strace s9  }
0x27: {  	s1 =	sld [smem:$0x3FAB]  }
0x28: {  	s2 =	sld [smem:$0x3FAC]  }
0x29: {  	s4 =	sld [smem:$0x3FAE]  }
0x2a: {  	p0 =	seq.s32 s5, $0x0;
	s5 =	sld [smem:$0x3FAF]  }
0x2b: {  	s6 =	sld [smem:$0x3FB0]  }
0x2c: {  	s7 =	sld [smem:$0x3FB1]  }
0x2d: {  	s3 =	simm.s32 $0x108;
	s8 =	sld [smem:$0x3FB2]  }
0x2e: {  	s3 =	simm.s32 @!p0 $0x1082;
	s9 =	sld [smem:$0x3FB3]  }
0x2f: {  	lr =	sadd.s32 s0, s3;
	s0 =	sld [smem:$0x3FAA]  }
0x30: {  	s3 =	sld [smem:$0x3FAD]  }
0x31: {  	[smem:$0x3FB6] =	sst s10  }
0x32: {  	s10 =	sld [smem:$0x3FB4];
	_ =	sdelay $0x3  }
0x33: {  	p0 =	seq.s32 s10, $0x1;
	s10 =	sld [smem:$0x3FB6];
	_ =	sdelay $0x3  }
0x34: {  	[smem:$0x3FB6] =	sst s10  }
0x35: {  	s10 =	sld [smem:$0x3FB5];
	_ =	sdelay $0x3  }
0x36: {  	p1 =	seq.s32 s10, $0x1;
	s10 =	sld [smem:$0x3FB6];
	_ =	sdelay $0x3  }
0x37: {  	[smem:$0x3FB6] =	sst s10  }
0x38: {  	s10 =	sld [smem:$0x3FB7]  }
0x39: {  	_ = 	snop;
	(pc) =	sbr.ind lr, $3  }
0x3a: {  	_ = 	snop  }
0x3b: {  	_ = 	snop  }
0x3c: {  	p2 =	seq.s32 s10, $0x1;
	s10 =	sld [smem:$0x3FB6]  }
0x3d: {  	_ =	shalt  }
0x3e: {  	_ =	shalt  }
0x3f: {  	_ =	shalt  }
0x40: {  	_ =	shalt  }
0x41: {  	_ =	shalt  }
0x42: {  	_ =	shalt  }
0x43: {  	_ =	shalt  }
0x44: {  	_ =	shalt  }
0x45: {  	_ =	shalt  }
0x46: {  	_ =	shalt  }
0x47: {  	_ =	shalt  }
0x48: {  	_ =	shalt  }
0x49: {  	_ =	shalt  }
0x4a: {  	_ =	shalt  }
0x4b: {  	_ =	shalt  }
0x4c: {  	_ =	shalt  }
0x4d: {  	_ =	shalt  }
0x4e: {  	_ =	shalt  }
0x4f: {  	_ =	shalt  }
0x50: {  	_ =	shalt  }
0x51: {  	_ =	shalt  }
0x52: {  	_ =	shalt  }
0x53: {  	_ =	shalt  }
0x54: {  	_ =	shalt  }
0x55: {  	_ =	shalt  }
0x56: {  	_ =	shalt  }
0x57: {  	_ =	shalt  }
0x58: {  	_ =	shalt  }
0x59: {  	_ =	shalt  }
0x5a: {  	_ =	shalt  }
0x5b: {  	_ =	shalt  }
0x5c: {  	_ =	shalt  }
0x5d: {  	_ =	shalt  }
0x5e: {  	_ =	shalt  }
0x5f: {  	_ =	shalt  }
0x60: {  	_ =	shalt  }
0x61: {  	_ =	shalt  }
0x62: {  	_ =	shalt  }
0x63: {  	_ =	shalt  }
0x64: {  	_ =	shalt  }
0x65: {  	_ =	shalt  }
0x66: {  	_ =	shalt  }
0x67: {  	_ =	shalt  }
0x68: {  	_ =	shalt  }
0x69: {  	_ =	shalt  }
0x6a: {  	_ =	shalt  }
0x6b: {  	_ =	shalt  }
0x6c: {  	_ =	shalt  }
0x6d: {  	_ =	shalt  }
0x6e: {  	_ =	shalt  }
0x6f: {  	_ =	shalt  }
0x70: {  	_ =	shalt  }
0x71: {  	_ =	shalt  }
0x72: {  	_ =	shalt  }
0x73: {  	_ =	shalt  }
0x74: {  	_ =	shalt  }
0x75: {  	_ =	shalt  }
0x76: {  	_ =	shalt  }
0x77: {  	_ =	shalt  }
0x78: {  	_ =	shalt  }
0x79: {  	_ =	shalt  }
0x7a: {  	_ =	shalt  }
0x7b: {  	_ =	shalt  }
0x7c: {  	_ =	shalt  }
0x7d: {  	_ =	shalt  }
0x7e: {  	_ =	shalt  }
0x7f: {  	_ =	shalt  }
0x80: {  	_ =	shalt  }
0x81: {  	_ =	shalt  }
0x82: {  	_ =	shalt  }
0x83: {  	_ =	shalt  }
0x84: {  	_ =	shalt  }
0x85: {  	_ =	shalt  }
0x86: {  	_ =	shalt  }
0x87: {  	_ =	shalt  }
.Lfunc_end0:
.L_simem_size_0:
called_computation_lowered:
.L_overlay_start_0:
0x88: {  	s2 =	sld [smem:$0x3FD9]  }
0x89: {  	s3 =	sld [smem:$0x3FFE];
	_ =	sdelay $0x1  }
0x8a: {  	s1 =	srdreg.scid  }
0x8b: {  	s0 =	sand.u32 $0x1, s1  }
0x8c: {  	s17 =	sshll.u32 s0, $0xA;
	s2 =	sadd.s32 s3, s2  }
0x8d: {  	s2 =	sadd.s32 s2, s17  }
0x8e: {  	[smem:$0x3FC2] =	sst s2  }
0x8f: {  	_ = 	snop  }
0x90: {  	s2 =	sld [smem:$0x3FC7]  }
0x91: {  	s18 =	sld [smem:$0x3FC4];
	(tm) =	ssettm $0x1  }
0x92: {  	s4 =	sld [smem:$0x3FFB];
	_ =	sdelay $0x3  }
0x93: {  	_ =	strace s4  }
0x94: {  	s4 =	sld [smem:$0x3FFC];
	_ =	sdelay $0x3  }
0x95: {  	_ =	strace s4  }
0x96: {  	s4 =	sld [smem:$0x3FFD];
	_ =	sdelay $0x3  }
0x97: {  	_ =	strace s4  }
0x98: {  	_ =	strace $0x8FFFFFFF  }
0x99: {  	s19 =	sld [smem:$0x3FDB];
	_ =	sdelay $0x1  }
0x9a: {  	s5 =	simm.s32 $_scs_section_size  }
0x9b: {  	s6 =	simm.s32 $_size__tile_overlayer_lowered;
	s7 =	simm.s32 $_tile_overlayer_lowered  }
0x9c: {  	s22 =	simm.s32 $0x1BFF;
	s21 =	sshll.u32 s7, $0x1;
	s4 =	sadd.s32 s5, s19  }
0x9d: {  	s8 =	simm.s32 $0x0;
	s20 =	sshll.u32 s6, $0x1;
	s6 =	sadd.s32 s21, s4  }
0x9e: {  	[timem:s8], [sflag:s22] =	dma.local [hbm:s6], s20  }
0x9f: {  	_ =	swait.ge [sflag:s22], s20  }
0xa0: {  	s5 =	ssub.s32 $0x0, s20;
	[sflag:s22] =	ssyncset.done $0x0  }
0xa1: {  	[sflag:s22] =	ssyncadd.s32 s5;
	_ =	sdelay $0x1  }
0xa2: {  	s23 =	simm.s32 $0x1B8B  }
0xa3: {  	_ =	swait.ge [sflag:s23], $0x1  }
0xa4: {  	[sflag:s23] =	ssyncset.done $0x0  }
0xa5: {  	s25 =	simm.s32 $0x1B8E;
	s24 =	sld [smem:$0x3FFE];
	[sflag:s23] =	ssyncadd.s32 $0xFFFFFFFF  }
0xa6: {  	s26 =	simm.s32 $execute0_lowered;
	[smem:$0x3FD2] =	sst s25  }
0xa7: {  	s6 =	sshll.u32 s26, $0x1;
	_ =	strace $0x80000046;
	[dreg:$0x1] =	wrdreg $0xFFFFFFFF  }
0xa8: {  	s28 =	simm.s32 $_size_execute0_lowered;
	s4 =	sadd.s32 s4, s6;
	[dreg:$0x0] =	wrdreg $0x0  }
0xa9: {  	s6 =	sshll.u32 s28, $0x1;
	[dreg:$0x2] =	wrdreg s4  }
0xaa: {  	[dreg:$0x3] =	wrdreg s6  }
0xab: {  	[dreg:$0x4] =	wrdreg $0xC0  }
0xac: {  	_ =	task [dreg:s8], $0x5FFFF  }
0xad: {  	[dreg:$0x1] =	wrdreg $0xFFFFFFFF  }
0xae: {  	[dreg:$0x0] =	wrdreg $0x60  }
0xaf: {  	[dreg:$0x2] =	wrdreg s2  }
0xb0: {  	[dreg:$0x3] =	wrdreg s18  }
0xb1: {  	[dreg:$0x4] =	wrdreg s24  }
0xb2: {  	[dreg:$0x5] =	wrdreg $0x9  }
0xb3: {  	_ =	task.clear_ibuf [dreg:s8], $0x6FFFF;
	_ =	strace $0x90000046  }
0xb4: {  	s29 =	simm.s32 $0x9;
	_ =	strace $0x80000048  }
0xb5: {  	_ =	swait.ge [sflag:s29], $0x1  }
0xb6: {  	[sflag:s29] =	ssyncadd.s32 $0xFFFFFFFF  }
0xb7: {  	_ =	strace $0x90000048  }
0xb8: {  	_ =	sfence  }
0xb9: {  	s30 =	sld [smem:$0x0];
	_ =	sdelay $0x2  }
0xba: {  	s31 =	sshll.u32 s1, $0xD;
	s1 =	sshrl.u32 s1, $0x2  }
0xbb: {  	s3 =	sand.u32 $0x4000, s31;
	s1 =	sadd.s32 s1, s30  }
0xbc: {  	s0 =	sor.u32 s3, s0;
	s1 =	sshll.u32 s1, $0x11  }
0xbd: {  	s0 =	sor.u32 s1, s0  }
0xbe: {  	s0 =	sadd.s32 $0x8F2B, s0  }
0xbf: {  	[sflag:s0] =	ssyncadd.remote.s32 $0x1  }
0xc0: {  	_ =	sfence.sel $0xFFFF  }
0xc1: {  	[dreg:$0x0] =	wrdreg $0xFFFFFFFF;
	(pc) =	sbr.abs _section_cstart, $3  }
0xc2: {  	[dreg:$0x1] =	wrdreg $0xFFFFFFFF  }
0xc3: {  	_ =	task.clear_ibuf [dreg:s8], $0x2FFFF;
	_ =	strace $0x9FFFFFFF  }
0xc4: {  	(tm) =	ssettm $0x7FFFFFFF  }
0xc5: {  	_ =	shalt  }
tec
execute0_lowered:
.L_overlay_start_1:
0x0: {  	(tag) =	ssettag $0x1  }
0x1: {  	s4 =	rddreg [dreg:$0x0]  }
0x2: {  	s1 =	rddreg [dreg:$0x1]  }
0x3: {  	s5 =	rddreg [dreg:$0x2]  }
0x4: {  	s0 =	rddreg [dreg:$0x3];
	s3 =	simm.s32 $0x0;
	s6 =	srdreg.scid  }
0x5: {  	s2 =	stileid.u32;
	s9 =	simm.s32 $0x1;
	s10 =	simm.s32 $0x0  }
0x6: {  	[smem:$0x7FF] =	sst s3;
	s6 =	sand.u32 $0x1, s6;
	s7 =	sshll.u32 s2, $0x8  }
0x7: {  	s8 =	sshll.u32 s6, $0x7;
	s6 =	ssub.s32 $0x2, s6;
	_ =	strace $0x80000047  }
0x8: {  	s7 =	sor.u32 s8, s7;
	s31 =	sshrl.u32 s6, $0x1;
	s8 =	simm.s32 $0x400  }
0x9: {  	s5 =	sadd.s32 s7, s5;
	s6 =	ssub.s32 s6, s31;
	s4 =	sadd.s32 s4, s7  }
0xa: {  	s7 =	simm.s32 $0x2;
	s5 =	sadd.s32 $0xA00, s5;
	s6 =	smax.u32 s6, $0x1  }
.LBB2_1:
0xb: {  	[tilespmem:s3], [sflag:$0x2] =	stream.linear.gather [hbm4b:s4+s3], $0x400, $0x38;
	[tilespmem:$0x800] =	vst v63  }
0xc: {  	_ =	swait.ge [sflag:s7], $0x400  }
0xd: {  	[sflag:s7] =	ssyncset.done $0x0  }
0xe: {  	[sflag:s7] =	ssyncadd.s32 $0xFFFFFC00  }
0xf: {  	[tilespmem:s8], [sflag:$0x1] =	stream.indirect.gather [hbm4b:s1+s8], $0x1, s3, s8, $0xb8;
	[tilespmem:$0x800] =	vst v63  }
0x10: {  	_ =	swait.ge [sflag:s9], $0x400  }
0x11: {  	[sflag:s9] =	ssyncset.done $0x0  }
0x12: {  	s11 =	simm.s32 $0x0;
	[sflag:s9] =	ssyncadd.s32 $0xFFFFFC00  }
0x13: {  	v0 =	vld [tilespmem:s11+$0x0];
	_ =	sdelay $0x4  }
0x14: {  	v1 =	vshrl.u32 v0, $0x2;
	v0 =	vld [tilespmem:s11+$0x400];
	_ =	sdelay $0x3  }
0x15: {  	s12 =	simm.s32 $0x10;
	s13 =	simm.s32 $0x80;
	v1 =	vand.u32 $0x3FFFFFF8, v1  }
.LBB2_2:
0x16: {  	p0 =	sne.s32 s13, $0xFC0;
	v2 =	vld [tilespmem:s12+$0x0];
	v0 =	vadd.s32 v0, v1  }
0x17: {  	[tilespmem:s11+$0x400] =	vst v0;
	s11 =	smov.u32 s12  }
.Ltmp0:
0x18: {  	v0 =	vld [tilespmem:s11+$0x400];
	(pc) =	sbr.rel @p0 .LBB2_2-.Ltmp0, $3  }
0x19: {  	_ =	sdelay $0x1  }
0x1a: {  	v1 =	vshrl.u32 v2, $0x2  }
0x1b: {  	s12 =	sshra.s32 s13, $0x2;
	s13 =	sadd.s32 $0x40, s13;
	v1 =	vand.u32 $0x3FFFFFF8, v1  }
0x1c: {  	v2 =	vld [tilespmem:s12+$0x0];
	v0 =	vadd.s32 v0, v1  }
0x1d: {  	[tilespmem:s11+$0x400] =	vst v0  }
0x1e: {  	v0 =	vld [tilespmem:s12+$0x400];
	_ =	sdelay $0x2  }
0x1f: {  	v63 =	vshrl.u32 v2, $0x2  }
0x20: {  	s10 =	sadd.s32 $0x1, s10;
	v1 =	vand.u32 $0x3FFFFFF8, v63  }
0x21: {  	p0 =	sne.s32 s10, s6;
	v0 =	vadd.s32 v0, v1  }
.Ltmp1:
0x22: {  	[tilespmem:s12+$0x400] =	vst v0;
	(pc) =	sbr.rel @p0 .LBB2_1-.Ltmp1, $4  }
0x23: {  	[hbm4b:s5+s3] =	stream.linear.scatter [tilespmem:s8], [sflag:$0x2], $0x400, $0x38;
	[tilespmem:$0x800] =	vst v63  }
0x24: {  	_ =	swait.ge [sflag:s7], $0x400  }
0x25: {  	[sflag:s7] =	ssyncset.done $0x0  }
0x26: {  	[sflag:s7] =	ssyncadd.s32 $0xFFFFFC00  }
0x27: {  	_ =	sfence.sel $0x180000  }
0x28: {  	[bflag:$0x0] =	sbarrier.arrive $0xFFFF  }
0x29: {  	p0 =	sne.s32 s2, $0x0;
	_ =	strace $0x90000047  }
0x2a: {  	s0 =	sadd.s32 @!p0 $0x100000, s0;
	[bflag:$0x2] =	sbarrier.arrive $0xFFFF  }
0x2b: {  	[sflag:s0] =	ssyncadd.tile.s32 @!p0 $0x1;
	_ =	shalt  }
.Lfunc_end2:
_tile_overlayer_lowered:
.L_overlay_start_2:
0x2c: {  	(tag) =	ssettag $0x2  }
0x2d: {  	s0 =	rddreg [dreg:$0x0];
	s2 =	stileid.u32  }
0x2e: {  	s1 =	rddreg [dreg:$0x1];
	p0 =	sne.s32 s2, $0x0  }
0x2f: {  	s3 =	rddreg [dreg:$0x2];
	[bflag:$0x3] =	sbarrier.arrive $0xFFFF;
	s2 =	simm.s32 @!p0 $0x1C02  }
0x30: {  	[timem:s3], [sflag:s2] =	dma.local @!p0 [hbm:s0], s1  }
0x31: {  	s0 =	simm.s32 @!p0 $0x2  }
0x32: {  	_ =	swait.ge @!p0 [sflag:s0], s1  }
0x33: {  	s1 =	ssub.s32 @!p0 $0x0, s1;
	[sflag:s0] =	ssyncset.done @!p0 $0x0  }
0x34: {  	[sflag:s0] =	ssyncadd.s32 @!p0 s1  }
0x35: {  	[bflag:$0x3] =	sbarrier.arrive $0xFFFF  }
0x36: {  	_ =	shalt  }

</sc_bundles>
